<compile_context>
chip_gen: v7x
topology: tpu7x:2x2x1
jax: 0.10.2.dev20260603
libtpu: 0.0.44.dev20260713+nightly
codegen_flags: <defaults>
</compile_context>

<pallas_src>
import functools

import jax
import jax.numpy as jnp
from jax import lax
from jax.experimental import pallas as pl
from jax.experimental.pallas import tpu as pltpu
from jax.experimental.pallas import tpu_sc as plsc

_N = 2048
_B = 4
_K = 16
_L = 16
_NW = 32
_ROWS_PER_W = (_B * _N) // _NW
_WORKERS_PER_BATCH = _N // _ROWS_PER_W
_CHUNKS = _N // _L


def _knn_kernel(pts_hbm, out_hbm, table_v, out_v):
  wid = lax.axis_index("c") * 16 + lax.axis_index("s")
  batch = wid // _WORKERS_PER_BATCH
  part = wid % _WORKERS_PER_BATCH
  row0 = part * _ROWS_PER_W

  pltpu.sync_copy(pts_hbm.at[batch], table_v)

  lane = lax.iota(jnp.int32, _L)
  inf = jnp.full((_L,), jnp.inf, dtype=jnp.float32)
  zero_i = jnp.zeros((_L,), dtype=jnp.int32)

  _RPI = 2

  def chunk_body(c, state):
    base = c * _L
    px = table_v[0, pl.ds(base, _L)]
    py = table_v[1, pl.ds(base, _L)]
    pz = table_v[2, pl.ds(base, _L)]
    idxv = lane + base

    def upd(q, a_k, a_v, e_k, e_v):
      dx = px - q[0]
      dy = py - q[1]
      dz = pz - q[2]
      d2 = dx * dx + dy * dy + dz * dz
      c_k, c_v = plsc.sort_key_val(d2, idxv)
      r_k = lax.rev(c_k, (0,))
      r_v = lax.rev(c_v, (0,))
      m = r_k < a_k
      na_k = jnp.where(m, r_k, a_k)
      na_v = jnp.where(m, r_v, a_v)
      ev_k = jnp.where(m, a_k, r_k)
      ev_v = jnp.where(m, a_v, r_v)
      a_k, a_v = plsc.sort_key_val(na_k, na_v)
      m2 = ev_k < e_k
      return (a_k, a_v, jnp.where(m2, ev_k, e_k), jnp.where(m2, ev_v, e_v))

    out = []
    for i in range(_RPI):
      out.extend(upd(state_q[i], *state[4 * i:4 * i + 4]))
    return tuple(out)

  def finalize(a_k, a_v, e_k, e_v, row):
    s_k, s_v = plsc.sort_key_val(e_k, e_v)
    b0_k = s_k.at[zero_i].get(mode="promise_in_bounds")
    b0_v = s_v.at[zero_i].get(mode="promise_in_bounds")
    sel0 = lane == 0
    f_k = jnp.where(sel0, b0_k, a_k)
    f_v = jnp.where(sel0, b0_v, a_v)
    _, f_v = plsc.sort_key_val(f_k, f_v)
    out_v[row, :] = f_v

  def row_body(p, g):
    for i in range(_RPI):
      ql = jnp.broadcast_to(p * _RPI + i, (_L,)).astype(jnp.int32)
      state_q[i] = tuple(
          state_q16[c].at[ql].get(mode="promise_in_bounds") for c in range(3))

    init = (inf, zero_i, inf, zero_i) * _RPI
    res = lax.fori_loop(0, _CHUNKS, chunk_body, init)
    for i in range(_RPI):
      finalize(*res[4 * i:4 * i + 4], g * _L + p * _RPI + i)
    return g

  def group_body(g, carry):
    state_q16[0] = table_v[0, pl.ds(row0 + g * _L, _L)]
    state_q16[1] = table_v[1, pl.ds(row0 + g * _L, _L)]
    state_q16[2] = table_v[2, pl.ds(row0 + g * _L, _L)]
    lax.fori_loop(0, _L // _RPI, row_body, g)
    return carry

  state_q16 = [None, None, None]
  state_q = [None] * _RPI
  lax.fori_loop(0, _ROWS_PER_W // _L, group_body, 0)

  pltpu.sync_copy(out_v, out_hbm.at[pl.ds(wid * _ROWS_PER_W, _ROWS_PER_W)])


def kernel(features, points):
  del features
  pts_t = jnp.transpose(points, (0, 2, 1))
  mesh = plsc.VectorSubcoreMesh(core_axis_name="c", subcore_axis_name="s")
  kfn = pl.kernel(
      _knn_kernel,
      out_type=jax.ShapeDtypeStruct((_B * _N, _K), jnp.int32),
      mesh=mesh,
      scratch_types=[
          pltpu.VMEM((3, _N), jnp.float32),
          pltpu.VMEM((_ROWS_PER_W, _K), jnp.int32),
      ],
      compiler_params=pltpu.CompilerParams(needs_layout_passes=False),
  )
  topk = kfn(pts_t).reshape(_B, _N, _K)
  batch_idx = jnp.broadcast_to(
      jnp.arange(_B, dtype=jnp.int32).reshape(_B, 1, 1, 1), (_B, _N, _K, 1))
  return jnp.concatenate([batch_idx, topk[..., None]], axis=3)

# --- scband reference (transcript-rebuilt; emitter-appended) ---
"""Pipeline reference for scband-k-nn-8796093022437 (READ-ONLY COPY).

The authoritative reference and input builder live on the scoring server;
editing this copy changes nothing except your own understanding.
"""

import jax, jax.numpy as jnp
import numpy as np

NUM_POINTS = 2048
K = 16
BATCH = 4

def setup_inputs(seed: int = 0) -> dict:
    key = jax.random.key(seed)
    k1, k2 = jax.random.split(key)
    features = jax.random.normal(k1, (BATCH, NUM_POINTS, 64), dtype=jnp.float32)
    points = jax.random.normal(k2, (BATCH, NUM_POINTS, 3), dtype=jnp.float32)
    return {"features": features, "points": points}

def reference(features, points):
    # pairwise euclidean distance: [B, N, N]
    diff = points[:, :, None, :] - points[:, None, :, :]
    distance = jnp.linalg.norm(diff, axis=-1)
    # top (k+1) nearest (largest of negative distance), drop self-match
    _, topk_indices = jax.lax.top_k(-distance, K + 1)
    topk_indices = topk_indices[:, :, 1:]  # [B, N, K]
    batch_size = features.shape[0]
    batch_indices = jnp.arange(batch_size, dtype=jnp.int32).reshape(batch_size, 1, 1, 1)
    batch_indices = jnp.broadcast_to(batch_indices, (batch_size, NUM_POINTS, K, 1))
    indices = jnp.concatenate(
        [batch_indices, topk_indices[:, :, :, None].astype(jnp.int32)], axis=3
    )  # [B, N, K, 2]
    return indices

if __name__ == "__main__":
    import jax
    _d = setup_inputs()
    print(jax.jit(kernel)(*tuple(_d.values())))

</pallas_src>

<mosaic_0001>
#map = affine_map<(d0, d1) -> (0, 0, 0)>
#map1 = affine_map<(d0, d1) -> (0, 0)>
module attributes {stable_mosaic.version = 14 : i64} {
  func.func @_knn_kernel(%arg0: i32, %arg1: i32, %arg2: memref<4x3x2048xf32, #tpu.memory_space<hbm>>, %arg3: memref<8192x16xi32, #tpu.memory_space<hbm>>, %arg4: memref<3x2048xf32, #tpu.memory_space<vmem>>, %arg5: memref<256x16xi32, #tpu.memory_space<vmem>>) attributes {dimension_semantics = [#tpu.dimension_semantics<core_parallel>, #tpu.dimension_semantics<subcore_parallel>], iteration_bounds = array<i64: 2, 16>, scalar_prefetch = 0 : i64, scratch_operands = 2 : i64, tpu.core_type = #tpu.core_type<sc_vector_subcore>, window_params = [{transform_indices = #map}, {transform_indices = #map1}]} {
    %mul3A = arith.constant 16 : i32
    %mul3A_0 = arith.muli %arg0, %mul3A : i32
    %add3A = arith.addi %mul3A_0, %arg1 : i32
    %jit3A = arith.constant 8 : i32
    %div3A = arith.divsi %add3A, %jit3A : i32
    %sign3A = arith.constant 0 : i32
    %sign3A_1 = arith.cmpi sgt, %add3A, %sign3A : i32
    %sign3A_2 = arith.extui %sign3A_1 : i1 to i32
    %sign3A_3 = arith.constant 0 : i32
    %sign3A_4 = arith.cmpi slt, %add3A, %sign3A_3 : i32
    %sign3A_5 = arith.extui %sign3A_4 : i1 to i32
    %sign3A_6 = arith.subi %sign3A_2, %sign3A_5 : i32
    %sign3A_7 = arith.constant 0 : i32
    %sign3A_8 = arith.cmpi sgt, %jit3A, %sign3A_7 : i32
    %sign3A_9 = arith.extui %sign3A_8 : i1 to i32
    %sign3A_10 = arith.constant 0 : i32
    %sign3A_11 = arith.cmpi slt, %jit3A, %sign3A_10 : i32
    %sign3A_12 = arith.extui %sign3A_11 : i1 to i32
    %sign3A_13 = arith.subi %sign3A_9, %sign3A_12 : i32
    %ne3A = arith.cmpi ne, %sign3A_6, %sign3A_13 : i32
    %rem3A = arith.remsi %add3A, %jit3A : i32
    %ne3A_14 = arith.constant 0 : i32
    %ne3A_15 = arith.cmpi ne, %rem3A, %ne3A_14 : i32
    %and3A = arith.andi %ne3A, %ne3A_15 : i1
    %sub3A = arith.constant 1 : i32
    %sub3A_16 = arith.subi %div3A, %sub3A : i32
    %select_n3A = arith.select %and3A, %sub3A_16, %div3A : i32
    %jit3A_17 = arith.constant 8 : i32
    %eq3A = arith.constant 0 : i32
    %eq3A_18 = arith.cmpi eq, %jit3A_17, %eq3A : i32
    %jit3A_19 = arith.constant 1 : i32
    %select_n3A_20 = arith.select %eq3A_18, %jit3A_19, %jit3A_17 : i32
    %rem3A_21 = arith.remsi %add3A, %select_n3A_20 : i32
    %ne3A_22 = arith.constant 0 : i32
    %ne3A_23 = arith.cmpi ne, %rem3A_21, %ne3A_22 : i32
    %lt3A = arith.constant 0 : i32
    %lt3A_24 = arith.cmpi slt, %rem3A_21, %lt3A : i32
    %lt3A_25 = arith.constant 0 : i32
    %lt3A_26 = arith.cmpi slt, %select_n3A_20, %lt3A_25 : i32
    %ne3A_27 = arith.xori %lt3A_24, %lt3A_26 : i1
    %and3A_28 = arith.andi %ne3A_27, %ne3A_23 : i1
    %add3A_29 = arith.addi %rem3A_21, %select_n3A_20 : i32
    %select_n3A_30 = arith.select %and3A_28, %add3A_29, %rem3A_21 : i32
    %mul3A_31 = arith.constant 256 : i32
    %mul3A_32 = arith.muli %select_n3A_30, %mul3A_31 : i32
    "tpu.region"() ({
      %run_scoped3A = tpu.sem_alloc : memref<!tpu.dma_semaphore, #tpu.memory_space<semaphore_mem>>
      %dma_start3A = arith.constant 0 : i32
      %dma_start3A_43 = arith.constant 0 : i32
      %dma_start3A_44 = tpu.memref_slice %arg2[%select_n3A, %dma_start3A, %dma_start3A_43] : memref<4x3x2048xf32, #tpu.memory_space<hbm>> -> memref<1x3x2048xf32, #tpu.memory_space<hbm>>
      %dma_start3A_45 = tpu.memref_squeeze %dma_start3A_44 : memref<1x3x2048xf32, #tpu.memory_space<hbm>> -> memref<3x2048xf32, #tpu.memory_space<hbm>>
      %dma_start3A_46 = arith.constant 0 : i32
      %dma_start3A_47 = arith.constant 0 : i32
      %dma_start3A_48 = tpu.memref_slice %arg2[%select_n3A, %dma_start3A_46, %dma_start3A_47] : memref<4x3x2048xf32, #tpu.memory_space<hbm>> -> memref<1x3x2048xf32, #tpu.memory_space<hbm>>
      %dma_start3A_49 = tpu.memref_squeeze %dma_start3A_48 : memref<1x3x2048xf32, #tpu.memory_space<hbm>> -> memref<3x2048xf32, #tpu.memory_space<hbm>>
      tpu.enqueue_dma source(%dma_start3A_49 : memref<3x2048xf32, #tpu.memory_space<hbm>>) target(%arg4 : memref<3x2048xf32, #tpu.memory_space<vmem>>) target_semaphore(%run_scoped3A : memref<!tpu.dma_semaphore, #tpu.memory_space<semaphore_mem>>)
      %dma_wait3A = arith.constant 0 : i32
      %dma_wait3A_50 = arith.constant 0 : i32
      %dma_wait3A_51 = tpu.memref_slice %arg2[%select_n3A, %dma_wait3A, %dma_wait3A_50] : memref<4x3x2048xf32, #tpu.memory_space<hbm>> -> memref<1x3x2048xf32, #tpu.memory_space<hbm>>
      %dma_wait3A_52 = tpu.memref_squeeze %dma_wait3A_51 : memref<1x3x2048xf32, #tpu.memory_space<hbm>> -> memref<3x2048xf32, #tpu.memory_space<hbm>>
      %dma_wait3A_53 = arith.constant 0 : i32
      %dma_wait3A_54 = arith.constant 0 : i32
      %dma_wait3A_55 = tpu.memref_slice %arg2[%select_n3A, %dma_wait3A_53, %dma_wait3A_54] : memref<4x3x2048xf32, #tpu.memory_space<hbm>> -> memref<1x3x2048xf32, #tpu.memory_space<hbm>>
      %dma_wait3A_56 = tpu.memref_squeeze %dma_wait3A_55 : memref<1x3x2048xf32, #tpu.memory_space<hbm>> -> memref<3x2048xf32, #tpu.memory_space<hbm>>
      tpu.wait_dma2 semaphore(%run_scoped3A : memref<!tpu.dma_semaphore, #tpu.memory_space<semaphore_mem>>) src(%dma_wait3A_56 : memref<3x2048xf32, #tpu.memory_space<hbm>>) dst(%arg4 : memref<3x2048xf32, #tpu.memory_space<vmem>>)
      tpu.yield
    }) : () -> ()
    %iota3A = tpu.iota {dimensions = array<i32: 0>} : vector<16xi32>
    %broadcast_in_dim3A = arith.constant 0x7F800000 : f32
    %broadcast_in_dim3A_33 = vector.broadcast %broadcast_in_dim3A : f32 to vector<16xf32>
    %broadcast_in_dim3A_34 = arith.constant 0 : i32
    %broadcast_in_dim3A_35 = vector.broadcast %broadcast_in_dim3A_34 : i32 to vector<16xi32>
    %scan3A = arith.constant 0 : i32
    %scan3A_36 = arith.constant 0 : i32
    %scan3A_37 = arith.constant 16 : i32
    %scan3A_38 = arith.addi %scan3A_36, %scan3A_37 : i32
    %scan3A_39 = arith.constant 1 : i32
    scf.for %scan3A_43 = %scan3A_36 to %scan3A_38 step %scan3A_39  : i32 {
      %mul3A_44 = arith.constant 16 : i32
      %mul3A_45 = arith.muli %scan3A_43, %mul3A_44 : i32
      %add3A_46 = arith.addi %mul3A_32, %mul3A_45 : i32
      %get3A = arith.constant 0 : i32
      %get3A_47 = arith.index_cast %get3A : i32 to index
      %get3A_48 = arith.index_cast %add3A_46 : i32 to index
      %get3A_49 = tpu.vector_load %arg4[%get3A_47, %get3A_48] {strides = array<i32>} : memref<3x2048xf32, #tpu.memory_space<vmem>>, vector<16xf32>,
      %mul3A_50 = arith.constant 16 : i32
      %mul3A_51 = arith.muli %scan3A_43, %mul3A_50 : i32
      %add3A_52 = arith.addi %mul3A_32, %mul3A_51 : i32
      %get3A_53 = arith.constant 1 : i32
      %get3A_54 = arith.index_cast %get3A_53 : i32 to index
      %get3A_55 = arith.index_cast %add3A_52 : i32 to index
      %get3A_56 = tpu.vector_load %arg4[%get3A_54, %get3A_55] {strides = array<i32>} : memref<3x2048xf32, #tpu.memory_space<vmem>>, vector<16xf32>,
      %mul3A_57 = arith.constant 16 : i32
      %mul3A_58 = arith.muli %scan3A_43, %mul3A_57 : i32
      %add3A_59 = arith.addi %mul3A_32, %mul3A_58 : i32
      %get3A_60 = arith.constant 2 : i32
      %get3A_61 = arith.index_cast %get3A_60 : i32 to index
      %get3A_62 = arith.index_cast %add3A_59 : i32 to index
      %get3A_63 = tpu.vector_load %arg4[%get3A_61, %get3A_62] {strides = array<i32>} : memref<3x2048xf32, #tpu.memory_space<vmem>>, vector<16xf32>,
      %scan3A_64 = arith.constant 0 : i32
      %scan3A_65 = arith.constant 8 : i32
      %scan3A_66 = arith.addi %scan3A_64, %scan3A_65 : i32
      %scan3A_67 = arith.constant 1 : i32
      scf.for %scan3A_69 = %scan3A_64 to %scan3A_66 step %scan3A_67  : i32 {
        %mul3A_70 = arith.constant 2 : i32
        %mul3A_71 = arith.muli %scan3A_69, %mul3A_70 : i32
        %add3A_72 = arith.constant 0 : i32
        %add3A_73 = arith.addi %mul3A_71, %add3A_72 : i32
        %broadcast_in_dim3A_74 = vector.broadcast %add3A_73 : i32 to vector<16xi32>
        %lt3A_75 = arith.constant 0 : i32
        %lt3A_76 = vector.broadcast %lt3A_75 : i32 to vector<16xi32>
        %lt3A_77 = arith.cmpi slt, %broadcast_in_dim3A_74, %lt3A_76 : vector<16xi32>
        %add3A_78 = arith.constant 16 : i32
        %add3A_79 = vector.broadcast %add3A_78 : i32 to vector<16xi32>
        %add3A_80 = arith.addi %broadcast_in_dim3A_74, %add3A_79 : vector<16xi32>
        %select_n3A_81 = arith.select %lt3A_77, %add3A_80, %broadcast_in_dim3A_74 : vector<16xi1>, vector<16xi32>
        %broadcast_in_dim3A_82 = vector.shape_cast %select_n3A_81 : vector<16xi32> to vector<16x1xi32>
        %gather3A = vector.shape_cast %broadcast_in_dim3A_82 : vector<16x1xi32> to vector<16xi32>
        %gather3A_83 = tpu.dynamic_gather %get3A_49[%gather3A] in [0] : vector<16xf32>, vector<16xi32> -> vector<16xf32>
        %lt3A_84 = arith.constant 0 : i32
        %lt3A_85 = vector.broadcast %lt3A_84 : i32 to vector<16xi32>
        %lt3A_86 = arith.cmpi slt, %broadcast_in_dim3A_74, %lt3A_85 : vector<16xi32>
        %add3A_87 = arith.constant 16 : i32
        %add3A_88 = vector.broadcast %add3A_87 : i32 to vector<16xi32>
        %add3A_89 = arith.addi %broadcast_in_dim3A_74, %add3A_88 : vector<16xi32>
        %select_n3A_90 = arith.select %lt3A_86, %add3A_89, %broadcast_in_dim3A_74 : vector<16xi1>, vector<16xi32>
        %broadcast_in_dim3A_91 = vector.shape_cast %select_n3A_90 : vector<16xi32> to vector<16x1xi32>
        %gather3A_92 = vector.shape_cast %broadcast_in_dim3A_91 : vector<16x1xi32> to vector<16xi32>
        %gather3A_93 = tpu.dynamic_gather %get3A_56[%gather3A_92] in [0] : vector<16xf32>, vector<16xi32> -> vector<16xf32>
        %lt3A_94 = arith.constant 0 : i32
        %lt3A_95 = vector.broadcast %lt3A_94 : i32 to vector<16xi32>
        %lt3A_96 = arith.cmpi slt, %broadcast_in_dim3A_74, %lt3A_95 : vector<16xi32>
        %add3A_97 = arith.constant 16 : i32
        %add3A_98 = vector.broadcast %add3A_97 : i32 to vector<16xi32>
        %add3A_99 = arith.addi %broadcast_in_dim3A_74, %add3A_98 : vector<16xi32>
        %select_n3A_100 = arith.select %lt3A_96, %add3A_99, %broadcast_in_dim3A_74 : vector<16xi1>, vector<16xi32>
        %broadcast_in_dim3A_101 = vector.shape_cast %select_n3A_100 : vector<16xi32> to vector<16x1xi32>
        %gather3A_102 = vector.shape_cast %broadcast_in_dim3A_101 : vector<16x1xi32> to vector<16xi32>
        %gather3A_103 = tpu.dynamic_gather %get3A_63[%gather3A_102] in [0] : vector<16xf32>, vector<16xi32> -> vector<16xf32>
        %mul3A_104 = arith.constant 2 : i32
        %mul3A_105 = arith.muli %scan3A_69, %mul3A_104 : i32
        %add3A_106 = arith.constant 1 : i32
        %add3A_107 = arith.addi %mul3A_105, %add3A_106 : i32
        %broadcast_in_dim3A_108 = vector.broadcast %add3A_107 : i32 to vector<16xi32>
        %lt3A_109 = arith.constant 0 : i32
        %lt3A_110 = vector.broadcast %lt3A_109 : i32 to vector<16xi32>
        %lt3A_111 = arith.cmpi slt, %broadcast_in_dim3A_108, %lt3A_110 : vector<16xi32>
        %add3A_112 = arith.constant 16 : i32
        %add3A_113 = vector.broadcast %add3A_112 : i32 to vector<16xi32>
        %add3A_114 = arith.addi %broadcast_in_dim3A_108, %add3A_113 : vector<16xi32>
        %select_n3A_115 = arith.select %lt3A_111, %add3A_114, %broadcast_in_dim3A_108 : vector<16xi1>, vector<16xi32>
        %broadcast_in_dim3A_116 = vector.shape_cast %select_n3A_115 : vector<16xi32> to vector<16x1xi32>
        %gather3A_117 = vector.shape_cast %broadcast_in_dim3A_116 : vector<16x1xi32> to vector<16xi32>
        %gather3A_118 = tpu.dynamic_gather %get3A_49[%gather3A_117] in [0] : vector<16xf32>, vector<16xi32> -> vector<16xf32>
        %lt3A_119 = arith.constant 0 : i32
        %lt3A_120 = vector.broadcast %lt3A_119 : i32 to vector<16xi32>
        %lt3A_121 = arith.cmpi slt, %broadcast_in_dim3A_108, %lt3A_120 : vector<16xi32>
        %add3A_122 = arith.constant 16 : i32
        %add3A_123 = vector.broadcast %add3A_122 : i32 to vector<16xi32>
        %add3A_124 = arith.addi %broadcast_in_dim3A_108, %add3A_123 : vector<16xi32>
        %select_n3A_125 = arith.select %lt3A_121, %add3A_124, %broadcast_in_dim3A_108 : vector<16xi1>, vector<16xi32>
        %broadcast_in_dim3A_126 = vector.shape_cast %select_n3A_125 : vector<16xi32> to vector<16x1xi32>
        %gather3A_127 = vector.shape_cast %broadcast_in_dim3A_126 : vector<16x1xi32> to vector<16xi32>
        %gather3A_128 = tpu.dynamic_gather %get3A_56[%gather3A_127] in [0] : vector<16xf32>, vector<16xi32> -> vector<16xf32>
        %lt3A_129 = arith.constant 0 : i32
        %lt3A_130 = vector.broadcast %lt3A_129 : i32 to vector<16xi32>
        %lt3A_131 = arith.cmpi slt, %broadcast_in_dim3A_108, %lt3A_130 : vector<16xi32>
        %add3A_132 = arith.constant 16 : i32
        %add3A_133 = vector.broadcast %add3A_132 : i32 to vector<16xi32>
        %add3A_134 = arith.addi %broadcast_in_dim3A_108, %add3A_133 : vector<16xi32>
        %select_n3A_135 = arith.select %lt3A_131, %add3A_134, %broadcast_in_dim3A_108 : vector<16xi1>, vector<16xi32>
        %broadcast_in_dim3A_136 = vector.shape_cast %select_n3A_135 : vector<16xi32> to vector<16x1xi32>
        %gather3A_137 = vector.shape_cast %broadcast_in_dim3A_136 : vector<16x1xi32> to vector<16xi32>
        %gather3A_138 = tpu.dynamic_gather %get3A_63[%gather3A_137] in [0] : vector<16xf32>, vector<16xi32> -> vector<16xf32>
        %scan3A_139 = arith.constant 0 : i32
        %scan3A_140 = arith.constant 128 : i32
        %scan3A_141 = arith.addi %scan3A_139, %scan3A_140 : i32
        %scan3A_142 = arith.constant 1 : i32
        %scan3A_143:8 = scf.for %scan3A_229 = %scan3A_139 to %scan3A_141 step %scan3A_142 iter_args(%scan3A_230 = %broadcast_in_dim3A_33, %scan3A_231 = %broadcast_in_dim3A_35, %scan3A_232 = %broadcast_in_dim3A_33, %scan3A_233 = %broadcast_in_dim3A_35, %scan3A_234 = %broadcast_in_dim3A_33, %scan3A_235 = %broadcast_in_dim3A_35, %scan3A_236 = %broadcast_in_dim3A_33, %scan3A_237 = %broadcast_in_dim3A_35) -> (vector<16xf32>, vector<16xi32>, vector<16xf32>, vector<16xi32>, vector<16xf32>, vector<16xi32>, vector<16xf32>, vector<16xi32>)  : i32 {
          %mul3A_238 = arith.constant 16 : i32
          %mul3A_239 = arith.muli %scan3A_229, %mul3A_238 : i32
          %get3A_240 = arith.constant 0 : i32
          %get3A_241 = arith.index_cast %get3A_240 : i32 to index
          %get3A_242 = arith.index_cast %mul3A_239 : i32 to index
          %get3A_243 = tpu.vector_load %arg4[%get3A_241, %get3A_242] {strides = array<i32>} : memref<3x2048xf32, #tpu.memory_space<vmem>>, vector<16xf32>,
          %get3A_244 = arith.constant 1 : i32
          %get3A_245 = arith.index_cast %get3A_244 : i32 to index
          %get3A_246 = arith.index_cast %mul3A_239 : i32 to index
          %get3A_247 = tpu.vector_load %arg4[%get3A_245, %get3A_246] {strides = array<i32>} : memref<3x2048xf32, #tpu.memory_space<vmem>>, vector<16xf32>,
          %get3A_248 = arith.constant 2 : i32
          %get3A_249 = arith.index_cast %get3A_248 : i32 to index
          %get3A_250 = arith.index_cast %mul3A_239 : i32 to index
          %get3A_251 = tpu.vector_load %arg4[%get3A_249, %get3A_250] {strides = array<i32>} : memref<3x2048xf32, #tpu.memory_space<vmem>>, vector<16xf32>,
          %add3A_252 = vector.broadcast %mul3A_239 : i32 to vector<16xi32>
          %add3A_253 = arith.addi %iota3A, %add3A_252 : vector<16xi32>
          %sub3A_254 = arith.subf %get3A_243, %gather3A_83 : vector<16xf32>
          %sub3A_255 = arith.subf %get3A_247, %gather3A_93 : vector<16xf32>
          %sub3A_256 = arith.subf %get3A_251, %gather3A_103 : vector<16xf32>
          %mul3A_257 = arith.mulf %sub3A_254, %sub3A_254 : vector<16xf32>
          %mul3A_258 = arith.mulf %sub3A_255, %sub3A_255 : vector<16xf32>
          %add3A_259 = arith.addf %mul3A_257, %mul3A_258 : vector<16xf32>
          %mul3A_260 = arith.mulf %sub3A_256, %sub3A_256 : vector<16xf32>
          %add3A_261 = arith.addf %add3A_259, %mul3A_260 : vector<16xf32>
          %masked_sort3A_262 = arith.constant dense<true> : vector<16xi1>
          %masked_sort3A_263, %masked_sort3A_264, %masked_sort3A_265 = tpu.sort %add3A_261, %add3A_253 masked %masked_sort3A_262 : (vector<16xf32>, vector<16xi32>, vector<16xi1>) -> (vector<16xi1>, vector<16xf32>, vector<16xi32>)
          %rev3A = arith.constant 15 : i32
          %rev3A_266 = vector.broadcast %rev3A : i32 to vector<16xi32>
          %rev3A_267 = tpu.iota {dimensions = array<i32: 0>} : vector<16xi32>
          %rev3A_268 = arith.subi %rev3A_266, %rev3A_267 : vector<16xi32>
          %rev3A_269 = tpu.dynamic_gather %masked_sort3A_264[%rev3A_268] in [0] : vector<16xf32>, vector<16xi32> -> vector<16xf32>
          %rev3A_270 = arith.constant 15 : i32
          %rev3A_271 = vector.broadcast %rev3A_270 : i32 to vector<16xi32>
          %rev3A_272 = tpu.iota {dimensions = array<i32: 0>} : vector<16xi32>
          %rev3A_273 = arith.subi %rev3A_271, %rev3A_272 : vector<16xi32>
          %rev3A_274 = tpu.dynamic_gather %masked_sort3A_265[%rev3A_273] in [0] : vector<16xi32>, vector<16xi32> -> vector<16xi32>
          %lt3A_275 = arith.cmpf olt, %rev3A_269, %scan3A_230 : vector<16xf32>
          %select_n3A_276 = arith.select %lt3A_275, %rev3A_269, %scan3A_230 : vector<16xi1>, vector<16xf32>
          %select_n3A_277 = arith.select %lt3A_275, %rev3A_274, %scan3A_231 : vector<16xi1>, vector<16xi32>
          %select_n3A_278 = arith.select %lt3A_275, %scan3A_230, %rev3A_269 : vector<16xi1>, vector<16xf32>
          %select_n3A_279 = arith.select %lt3A_275, %scan3A_231, %rev3A_274 : vector<16xi1>, vector<16xi32>
          %masked_sort3A_280 = arith.constant dense<true> : vector<16xi1>
          %masked_sort3A_281, %masked_sort3A_282, %masked_sort3A_283 = tpu.sort %select_n3A_276, %select_n3A_277 masked %masked_sort3A_280 : (vector<16xf32>, vector<16xi32>, vector<16xi1>) -> (vector<16xi1>, vector<16xf32>, vector<16xi32>)
          %lt3A_284 = arith.cmpf olt, %select_n3A_278, %scan3A_232 : vector<16xf32>
          %select_n3A_285 = arith.select %lt3A_284, %select_n3A_278, %scan3A_232 : vector<16xi1>, vector<16xf32>
          %select_n3A_286 = arith.select %lt3A_284, %select_n3A_279, %scan3A_233 : vector<16xi1>, vector<16xi32>
          %sub3A_287 = arith.subf %get3A_243, %gather3A_118 : vector<16xf32>
          %sub3A_288 = arith.subf %get3A_247, %gather3A_128 : vector<16xf32>
          %sub3A_289 = arith.subf %get3A_251, %gather3A_138 : vector<16xf32>
          %mul3A_290 = arith.mulf %sub3A_287, %sub3A_287 : vector<16xf32>
          %mul3A_291 = arith.mulf %sub3A_288, %sub3A_288 : vector<16xf32>
          %add3A_292 = arith.addf %mul3A_290, %mul3A_291 : vector<16xf32>
          %mul3A_293 = arith.mulf %sub3A_289, %sub3A_289 : vector<16xf32>
          %add3A_294 = arith.addf %add3A_292, %mul3A_293 : vector<16xf32>
          %masked_sort3A_295 = arith.constant dense<true> : vector<16xi1>
          %masked_sort3A_296, %masked_sort3A_297, %masked_sort3A_298 = tpu.sort %add3A_294, %add3A_253 masked %masked_sort3A_295 : (vector<16xf32>, vector<16xi32>, vector<16xi1>) -> (vector<16xi1>, vector<16xf32>, vector<16xi32>)
          %rev3A_299 = arith.constant 15 : i32
          %rev3A_300 = vector.broadcast %rev3A_299 : i32 to vector<16xi32>
          %rev3A_301 = tpu.iota {dimensions = array<i32: 0>} : vector<16xi32>
          %rev3A_302 = arith.subi %rev3A_300, %rev3A_301 : vector<16xi32>
          %rev3A_303 = tpu.dynamic_gather %masked_sort3A_297[%rev3A_302] in [0] : vector<16xf32>, vector<16xi32> -> vector<16xf32>
          %rev3A_304 = arith.constant 15 : i32
          %rev3A_305 = vector.broadcast %rev3A_304 : i32 to vector<16xi32>
          %rev3A_306 = tpu.iota {dimensions = array<i32: 0>} : vector<16xi32>
          %rev3A_307 = arith.subi %rev3A_305, %rev3A_306 : vector<16xi32>
          %rev3A_308 = tpu.dynamic_gather %masked_sort3A_298[%rev3A_307] in [0] : vector<16xi32>, vector<16xi32> -> vector<16xi32>
          %lt3A_309 = arith.cmpf olt, %rev3A_303, %scan3A_234 : vector<16xf32>
          %select_n3A_310 = arith.select %lt3A_309, %rev3A_303, %scan3A_234 : vector<16xi1>, vector<16xf32>
          %select_n3A_311 = arith.select %lt3A_309, %rev3A_308, %scan3A_235 : vector<16xi1>, vector<16xi32>
          %select_n3A_312 = arith.select %lt3A_309, %scan3A_234, %rev3A_303 : vector<16xi1>, vector<16xf32>
          %select_n3A_313 = arith.select %lt3A_309, %scan3A_235, %rev3A_308 : vector<16xi1>, vector<16xi32>
          %masked_sort3A_314 = arith.constant dense<true> : vector<16xi1>
          %masked_sort3A_315, %masked_sort3A_316, %masked_sort3A_317 = tpu.sort %select_n3A_310, %select_n3A_311 masked %masked_sort3A_314 : (vector<16xf32>, vector<16xi32>, vector<16xi1>) -> (vector<16xi1>, vector<16xf32>, vector<16xi32>)
          %lt3A_318 = arith.cmpf olt, %select_n3A_312, %scan3A_236 : vector<16xf32>
          %select_n3A_319 = arith.select %lt3A_318, %select_n3A_312, %scan3A_236 : vector<16xi1>, vector<16xf32>
          %select_n3A_320 = arith.select %lt3A_318, %select_n3A_313, %scan3A_237 : vector<16xi1>, vector<16xi32>
          scf.yield %masked_sort3A_282, %masked_sort3A_283, %select_n3A_285, %select_n3A_286, %masked_sort3A_316, %masked_sort3A_317, %select_n3A_319, %select_n3A_320 : vector<16xf32>, vector<16xi32>, vector<16xf32>, vector<16xi32>, vector<16xf32>, vector<16xi32>, vector<16xf32>, vector<16xi32>
        }
        %scan3A_144 = arith.constant 128 : i32
        %mul3A_145 = arith.constant 16 : i32
        %mul3A_146 = arith.muli %scan3A_43, %mul3A_145 : i32
        %mul3A_147 = arith.constant 2 : i32
        %mul3A_148 = arith.muli %scan3A_69, %mul3A_147 : i32
        %add3A_149 = arith.addi %mul3A_146, %mul3A_148 : i32
        %add3A_150 = arith.constant 0 : i32
        %add3A_151 = arith.addi %add3A_149, %add3A_150 : i32
        %masked_sort3A = arith.constant dense<true> : vector<16xi1>
        %masked_sort3A_152, %masked_sort3A_153, %masked_sort3A_154 = tpu.sort %scan3A_143#2, %scan3A_143#3 masked %masked_sort3A : (vector<16xf32>, vector<16xi32>, vector<16xi1>) -> (vector<16xi1>, vector<16xf32>, vector<16xi32>)
        %lt3A_155 = arith.constant 0 : i32
        %lt3A_156 = vector.broadcast %lt3A_155 : i32 to vector<16xi32>
        %lt3A_157 = arith.cmpi slt, %broadcast_in_dim3A_35, %lt3A_156 : vector<16xi32>
        %add3A_158 = arith.constant 16 : i32
        %add3A_159 = vector.broadcast %add3A_158 : i32 to vector<16xi32>
        %add3A_160 = arith.addi %broadcast_in_dim3A_35, %add3A_159 : vector<16xi32>
        %select_n3A_161 = arith.select %lt3A_157, %add3A_160, %broadcast_in_dim3A_35 : vector<16xi1>, vector<16xi32>
        %broadcast_in_dim3A_162 = vector.shape_cast %select_n3A_161 : vector<16xi32> to vector<16x1xi32>
        %gather3A_163 = vector.shape_cast %broadcast_in_dim3A_162 : vector<16x1xi32> to vector<16xi32>
        %gather3A_164 = tpu.dynamic_gather %masked_sort3A_153[%gather3A_163] in [0] : vector<16xf32>, vector<16xi32> -> vector<16xf32>
        %lt3A_165 = arith.constant 0 : i32
        %lt3A_166 = vector.broadcast %lt3A_165 : i32 to vector<16xi32>
        %lt3A_167 = arith.cmpi slt, %broadcast_in_dim3A_35, %lt3A_166 : vector<16xi32>
        %add3A_168 = arith.constant 16 : i32
        %add3A_169 = vector.broadcast %add3A_168 : i32 to vector<16xi32>
        %add3A_170 = arith.addi %broadcast_in_dim3A_35, %add3A_169 : vector<16xi32>
        %select_n3A_171 = arith.select %lt3A_167, %add3A_170, %broadcast_in_dim3A_35 : vector<16xi1>, vector<16xi32>
        %broadcast_in_dim3A_172 = vector.shape_cast %select_n3A_171 : vector<16xi32> to vector<16x1xi32>
        %gather3A_173 = vector.shape_cast %broadcast_in_dim3A_172 : vector<16x1xi32> to vector<16xi32>
        %gather3A_174 = tpu.dynamic_gather %masked_sort3A_154[%gather3A_173] in [0] : vector<16xi32>, vector<16xi32> -> vector<16xi32>
        %eq3A_175 = arith.constant 0 : i32
        %eq3A_176 = vector.broadcast %eq3A_175 : i32 to vector<16xi32>
        %eq3A_177 = arith.cmpi eq, %iota3A, %eq3A_176 : vector<16xi32>
        %select_n3A_178 = arith.select %eq3A_177, %gather3A_164, %scan3A_143#0 : vector<16xi1>, vector<16xf32>
        %select_n3A_179 = arith.select %eq3A_177, %gather3A_174, %scan3A_143#1 : vector<16xi1>, vector<16xi32>
        %masked_sort3A_180 = arith.constant dense<true> : vector<16xi1>
        %masked_sort3A_181, %masked_sort3A_182, %masked_sort3A_183 = tpu.sort %select_n3A_178, %select_n3A_179 masked %masked_sort3A_180 : (vector<16xf32>, vector<16xi32>, vector<16xi1>) -> (vector<16xi1>, vector<16xf32>, vector<16xi32>)
        %swap3A = arith.index_cast %add3A_151 : i32 to index
        %swap3A_184 = arith.constant 0 : index
        %swap3A_185 = tpu.vector_load %arg5[%swap3A, %swap3A_184] {strides = array<i32>} : memref<256x16xi32, #tpu.memory_space<vmem>>, vector<16xi32>,
        tpu.vector_store %arg5[%swap3A, %swap3A_184], %masked_sort3A_183 {strides = array<i32>} : memref<256x16xi32, #tpu.memory_space<vmem>>, vector<16xi32>,
        %mul3A_186 = arith.constant 16 : i32
        %mul3A_187 = arith.muli %scan3A_43, %mul3A_186 : i32
        %mul3A_188 = arith.constant 2 : i32
        %mul3A_189 = arith.muli %scan3A_69, %mul3A_188 : i32
        %add3A_190 = arith.addi %mul3A_187, %mul3A_189 : i32
        %add3A_191 = arith.constant 1 : i32
        %add3A_192 = arith.addi %add3A_190, %add3A_191 : i32
        %masked_sort3A_193 = arith.constant dense<true> : vector<16xi1>
        %masked_sort3A_194, %masked_sort3A_195, %masked_sort3A_196 = tpu.sort %scan3A_143#6, %scan3A_143#7 masked %masked_sort3A_193 : (vector<16xf32>, vector<16xi32>, vector<16xi1>) -> (vector<16xi1>, vector<16xf32>, vector<16xi32>)
        %lt3A_197 = arith.constant 0 : i32
        %lt3A_198 = vector.broadcast %lt3A_197 : i32 to vector<16xi32>
        %lt3A_199 = arith.cmpi slt, %broadcast_in_dim3A_35, %lt3A_198 : vector<16xi32>
        %add3A_200 = arith.constant 16 : i32
        %add3A_201 = vector.broadcast %add3A_200 : i32 to vector<16xi32>
        %add3A_202 = arith.addi %broadcast_in_dim3A_35, %add3A_201 : vector<16xi32>
        %select_n3A_203 = arith.select %lt3A_199, %add3A_202, %broadcast_in_dim3A_35 : vector<16xi1>, vector<16xi32>
        %broadcast_in_dim3A_204 = vector.shape_cast %select_n3A_203 : vector<16xi32> to vector<16x1xi32>
        %gather3A_205 = vector.shape_cast %broadcast_in_dim3A_204 : vector<16x1xi32> to vector<16xi32>
        %gather3A_206 = tpu.dynamic_gather %masked_sort3A_195[%gather3A_205] in [0] : vector<16xf32>, vector<16xi32> -> vector<16xf32>
        %lt3A_207 = arith.constant 0 : i32
        %lt3A_208 = vector.broadcast %lt3A_207 : i32 to vector<16xi32>
        %lt3A_209 = arith.cmpi slt, %broadcast_in_dim3A_35, %lt3A_208 : vector<16xi32>
        %add3A_210 = arith.constant 16 : i32
        %add3A_211 = vector.broadcast %add3A_210 : i32 to vector<16xi32>
        %add3A_212 = arith.addi %broadcast_in_dim3A_35, %add3A_211 : vector<16xi32>
        %select_n3A_213 = arith.select %lt3A_209, %add3A_212, %broadcast_in_dim3A_35 : vector<16xi1>, vector<16xi32>
        %broadcast_in_dim3A_214 = vector.shape_cast %select_n3A_213 : vector<16xi32> to vector<16x1xi32>
        %gather3A_215 = vector.shape_cast %broadcast_in_dim3A_214 : vector<16x1xi32> to vector<16xi32>
        %gather3A_216 = tpu.dynamic_gather %masked_sort3A_196[%gather3A_215] in [0] : vector<16xi32>, vector<16xi32> -> vector<16xi32>
        %eq3A_217 = arith.constant 0 : i32
        %eq3A_218 = vector.broadcast %eq3A_217 : i32 to vector<16xi32>
        %eq3A_219 = arith.cmpi eq, %iota3A, %eq3A_218 : vector<16xi32>
        %select_n3A_220 = arith.select %eq3A_219, %gather3A_206, %scan3A_143#4 : vector<16xi1>, vector<16xf32>
        %select_n3A_221 = arith.select %eq3A_219, %gather3A_216, %scan3A_143#5 : vector<16xi1>, vector<16xi32>
        %masked_sort3A_222 = arith.constant dense<true> : vector<16xi1>
        %masked_sort3A_223, %masked_sort3A_224, %masked_sort3A_225 = tpu.sort %select_n3A_220, %select_n3A_221 masked %masked_sort3A_222 : (vector<16xf32>, vector<16xi32>, vector<16xi1>) -> (vector<16xi1>, vector<16xf32>, vector<16xi32>)
        %swap3A_226 = arith.index_cast %add3A_192 : i32 to index
        %swap3A_227 = arith.constant 0 : index
        %swap3A_228 = tpu.vector_load %arg5[%swap3A_226, %swap3A_227] {strides = array<i32>} : memref<256x16xi32, #tpu.memory_space<vmem>>, vector<16xi32>,
        tpu.vector_store %arg5[%swap3A_226, %swap3A_227], %masked_sort3A_225 {strides = array<i32>} : memref<256x16xi32, #tpu.memory_space<vmem>>, vector<16xi32>,
      }
      %scan3A_68 = arith.constant 8 : i32
    }
    %scan3A_40 = arith.constant 16 : i32
    %mul3A_41 = arith.constant 256 : i32
    %mul3A_42 = arith.muli %add3A, %mul3A_41 : i32
    "tpu.region"() ({
      %run_scoped3A = tpu.sem_alloc : memref<!tpu.dma_semaphore, #tpu.memory_space<semaphore_mem>>
      %dma_start3A = arith.constant 0 : i32
      %dma_start3A_43 = tpu.memref_slice %arg3[%mul3A_42, %dma_start3A] : memref<8192x16xi32, #tpu.memory_space<hbm>> -> memref<256x16xi32, #tpu.memory_space<hbm>>
      %dma_start3A_44 = arith.constant 0 : i32
      %dma_start3A_45 = tpu.memref_slice %arg3[%mul3A_42, %dma_start3A_44] : memref<8192x16xi32, #tpu.memory_space<hbm>> -> memref<256x16xi32, #tpu.memory_space<hbm>>
      tpu.enqueue_dma source(%arg5 : memref<256x16xi32, #tpu.memory_space<vmem>>) target(%dma_start3A_45 : memref<256x16xi32, #tpu.memory_space<hbm>>) target_semaphore(%run_scoped3A : memref<!tpu.dma_semaphore, #tpu.memory_space<semaphore_mem>>)
      %dma_wait3A = arith.constant 0 : i32
      %dma_wait3A_46 = tpu.memref_slice %arg3[%mul3A_42, %dma_wait3A] : memref<8192x16xi32, #tpu.memory_space<hbm>> -> memref<256x16xi32, #tpu.memory_space<hbm>>
      %dma_wait3A_47 = arith.constant 0 : i32
      %dma_wait3A_48 = tpu.memref_slice %arg3[%mul3A_42, %dma_wait3A_47] : memref<8192x16xi32, #tpu.memory_space<hbm>> -> memref<256x16xi32, #tpu.memory_space<hbm>>
      tpu.wait_dma2 semaphore(%run_scoped3A : memref<!tpu.dma_semaphore, #tpu.memory_space<semaphore_mem>>) src(%arg5 : memref<256x16xi32, #tpu.memory_space<vmem>>) dst(%dma_wait3A_48 : memref<256x16xi32, #tpu.memory_space<hbm>>)
      tpu.yield
    }) : () -> ()
    return
  }
}

</mosaic_0001>

<sc_bundles>
// kernel: kernel.3.cloned.1.call-start
scs
__scs_entry_jumppad:
0x0: {  	(pc) =	sbr.rel $0x88, $3  }
0x1: {  	(tag) =	ssettag $0x0;
	lr =	simm.s32 $0x1  }
0x2: {  	[smem:$0x3FA0] =	sst lr;
	_ =	strace $0xD0000000  }
0x3: {  	_ = 	snop  }
0x4: {  	_ = 	snop  }
0x5: {  	_ = 	snop  }
0x6: {  	_ = 	snop  }
0x7: {  	_ = 	snop  }
__scs_overlays_trampoline_lowered:
0x8: {  	[smem:$0x3FAF] =	sst s0  }
0x9: {  	[smem:$0x3FB0] =	sst s1  }
0xa: {  	[smem:$0x3FB1] =	sst s2  }
0xb: {  	[smem:$0x3FB2] =	sst s3  }
0xc: {  	[smem:$0x3FB3] =	sst s4  }
0xd: {  	[smem:$0x3FB4] =	sst s5  }
0xe: {  	[smem:$0x3FB5] =	sst s6  }
0xf: {  	[smem:$0x3FB6] =	sst s7  }
0x10: {  	[smem:$0x3FB7] =	sst s8  }
0x11: {  	[smem:$0x3FB8] =	sst s9;
	s0 =	simm.s32 @!p0 $0x0  }
0x12: {  	s1 =	sld [smem:$0x3F9E];
	s0 =	simm.s32 @p0 $0x1  }
0x13: {  	[smem:$0x3FB9] =	sst s0;
	s0 =	simm.s32 @!p1 $0x0  }
0x14: {  	s2 =	sld [smem:$0x3F9D];
	s0 =	simm.s32 @p1 $0x1  }
0x15: {  	[smem:$0x3FBA] =	sst s0;
	s0 =	simm.s32 @!p2 $0x0  }
0x16: {  	s3 =	sld [smem:$0x3FDB];
	s0 =	simm.s32 @p2 $0x1  }
0x17: {  	s4 =	simm.s32 $0x1BF5;
	[smem:$0x3FBC] =	sst s0  }
0x18: {  	s0 =	sld [smem:$0x3F9F];
	_ =	swait.ge [sflag:s4], $0x0  }
0x19: {  	s7 =	sld [smem:$0x3FA0]  }
0x1a: {  	s8 =	sadd.s32 $0xFFFFE003, lr  }
0x1b: {  	s9 =	sadd.s32 $0xFFFFFEF7, lr;
	s5 =	simm.s32 $0xFFFFFFFF;
	p2 =	slt.u32 s8, $0xFFFFF086  }
0x1c: {  	p1 =	slt.u32 s9, $0xF7A;
	s5 =	simm.s32 @!p2 $0x0  }
0x1d: {  	s5 =	simm.s32 @p1 $0x1;
	p0 =	seq.s32 s7, s2  }
0x1e: {  	s7 =	smul.u32 @!p0 $0xF7A, s2;
	p2 =	seq.s32 @!p0 s5, $0x0  }
0x1f: {  	s9 =	smul.u32 $0xF7A, s1;
	s8 =	simm.s32 @!p0 $0x1BF5;
	p2 =	por !p2, p0  }
0x20: {  	[sflag:s8] =	ssyncset.s32 @!p0 $0xFFFFF086;
	s6 =	sadd.s32 @!p0 s3, s7;
	s7 =	simm.s32 @!p0 $0x108  }
0x21: {  	s3 =	sadd.s32 s3, s9;
	s6 =	sadd.s32 @!p0 $0x88, s6;
	s7 =	simm.s32 @p2 $0x1082  }
0x22: {  	[simem:s7], [sflag:s8] =	dma.local @!p0 [hbm:s6], $0xF7A  }
0x23: {  	s9 =	sor.u32 $0xD0000000, s2;
	s6 =	simm.s32 $0x108;
	_ =	swait.ge @!p0 [sflag:s8], $0x0  }
0x24: {  	s3 =	sadd.s32 $0x88, s3;
	s6 =	simm.s32 @!p1 $0x1082;
	[sflag:s4] =	ssyncset.s32 $0xFFFFF086  }
0x25: {  	[simem:s6], [sflag:s4] =	dma.local [hbm:s3], $0xF7A  }
0x26: {  	[smem:$0x3FA0] =	sst s1;
	(tag) =	ssettag s2;
	_ =	strace s9  }
0x27: {  	s1 =	sld [smem:$0x3FB0]  }
0x28: {  	s2 =	sld [smem:$0x3FB1]  }
0x29: {  	s4 =	sld [smem:$0x3FB3]  }
0x2a: {  	p0 =	seq.s32 s5, $0x0;
	s5 =	sld [smem:$0x3FB4]  }
0x2b: {  	s6 =	sld [smem:$0x3FB5]  }
0x2c: {  	s7 =	sld [smem:$0x3FB6]  }
0x2d: {  	s3 =	simm.s32 $0x108;
	s8 =	sld [smem:$0x3FB7]  }
0x2e: {  	s3 =	simm.s32 @!p0 $0x1082;
	s9 =	sld [smem:$0x3FB8]  }
0x2f: {  	lr =	sadd.s32 s0, s3;
	s0 =	sld [smem:$0x3FAF]  }
0x30: {  	s3 =	sld [smem:$0x3FB2]  }
0x31: {  	[smem:$0x3FBB] =	sst s10  }
0x32: {  	s10 =	sld [smem:$0x3FB9];
	_ =	sdelay $0x3  }
0x33: {  	p0 =	seq.s32 s10, $0x1;
	s10 =	sld [smem:$0x3FBB];
	_ =	sdelay $0x3  }
0x34: {  	[smem:$0x3FBB] =	sst s10  }
0x35: {  	s10 =	sld [smem:$0x3FBA];
	_ =	sdelay $0x3  }
0x36: {  	p1 =	seq.s32 s10, $0x1;
	s10 =	sld [smem:$0x3FBB];
	_ =	sdelay $0x3  }
0x37: {  	[smem:$0x3FBB] =	sst s10  }
0x38: {  	s10 =	sld [smem:$0x3FBC]  }
0x39: {  	_ = 	snop;
	(pc) =	sbr.ind lr, $3  }
0x3a: {  	_ = 	snop  }
0x3b: {  	_ = 	snop  }
0x3c: {  	p2 =	seq.s32 s10, $0x1;
	s10 =	sld [smem:$0x3FBB]  }
0x3d: {  	_ =	shalt  }
0x3e: {  	_ =	shalt  }
0x3f: {  	_ =	shalt  }
0x40: {  	_ =	shalt  }
0x41: {  	_ =	shalt  }
0x42: {  	_ =	shalt  }
0x43: {  	_ =	shalt  }
0x44: {  	_ =	shalt  }
0x45: {  	_ =	shalt  }
0x46: {  	_ =	shalt  }
0x47: {  	_ =	shalt  }
0x48: {  	_ =	shalt  }
0x49: {  	_ =	shalt  }
0x4a: {  	_ =	shalt  }
0x4b: {  	_ =	shalt  }
0x4c: {  	_ =	shalt  }
0x4d: {  	_ =	shalt  }
0x4e: {  	_ =	shalt  }
0x4f: {  	_ =	shalt  }
0x50: {  	_ =	shalt  }
0x51: {  	_ =	shalt  }
0x52: {  	_ =	shalt  }
0x53: {  	_ =	shalt  }
0x54: {  	_ =	shalt  }
0x55: {  	_ =	shalt  }
0x56: {  	_ =	shalt  }
0x57: {  	_ =	shalt  }
0x58: {  	_ =	shalt  }
0x59: {  	_ =	shalt  }
0x5a: {  	_ =	shalt  }
0x5b: {  	_ =	shalt  }
0x5c: {  	_ =	shalt  }
0x5d: {  	_ =	shalt  }
0x5e: {  	_ =	shalt  }
0x5f: {  	_ =	shalt  }
0x60: {  	_ =	shalt  }
0x61: {  	_ =	shalt  }
0x62: {  	_ =	shalt  }
0x63: {  	_ =	shalt  }
0x64: {  	_ =	shalt  }
0x65: {  	_ =	shalt  }
0x66: {  	_ =	shalt  }
0x67: {  	_ =	shalt  }
0x68: {  	_ =	shalt  }
0x69: {  	_ =	shalt  }
0x6a: {  	_ =	shalt  }
0x6b: {  	_ =	shalt  }
0x6c: {  	_ =	shalt  }
0x6d: {  	_ =	shalt  }
0x6e: {  	_ =	shalt  }
0x6f: {  	_ =	shalt  }
0x70: {  	_ =	shalt  }
0x71: {  	_ =	shalt  }
0x72: {  	_ =	shalt  }
0x73: {  	_ =	shalt  }
0x74: {  	_ =	shalt  }
0x75: {  	_ =	shalt  }
0x76: {  	_ =	shalt  }
0x77: {  	_ =	shalt  }
0x78: {  	_ =	shalt  }
0x79: {  	_ =	shalt  }
0x7a: {  	_ =	shalt  }
0x7b: {  	_ =	shalt  }
0x7c: {  	_ =	shalt  }
0x7d: {  	_ =	shalt  }
0x7e: {  	_ =	shalt  }
0x7f: {  	_ =	shalt  }
0x80: {  	_ =	shalt  }
0x81: {  	_ =	shalt  }
0x82: {  	_ =	shalt  }
0x83: {  	_ =	shalt  }
0x84: {  	_ =	shalt  }
0x85: {  	_ =	shalt  }
0x86: {  	_ =	shalt  }
0x87: {  	_ =	shalt  }
.Lfunc_end0:
.L_simem_size_0:
called_computation_lowered:
.L_overlay_start_0:
0x88: {  	s2 =	sld [smem:$0x3FD9]  }
0x89: {  	s3 =	sld [smem:$0x3FFE];
	_ =	sdelay $0x1  }
0x8a: {  	s1 =	srdreg.scid  }
0x8b: {  	s0 =	sand.u32 $0x1, s1  }
0x8c: {  	s17 =	sshll.u32 s0, $0xA;
	s2 =	sadd.s32 s3, s2  }
0x8d: {  	s2 =	sadd.s32 s2, s17  }
0x8e: {  	[smem:$0x3FC7] =	sst s2  }
0x8f: {  	_ = 	snop  }
0x90: {  	s2 =	sld [smem:$0x3FD0];
	(tm) =	ssettm $0x1  }
0x91: {  	s18 =	sld [smem:$0x3FFB];
	_ =	sdelay $0x3  }
0x92: {  	_ =	strace s18  }
0x93: {  	s3 =	sld [smem:$0x3FFC];
	_ =	sdelay $0x3  }
0x94: {  	_ =	strace s3  }
0x95: {  	s3 =	sld [smem:$0x3FFD];
	_ =	sdelay $0x3  }
0x96: {  	_ =	strace s3  }
0x97: {  	_ =	strace $0x8FFFFFFF  }
0x98: {  	s19 =	sld [smem:$0x3FDB];
	_ =	sdelay $0x1  }
0x99: {  	s4 =	simm.s32 $_scs_section_size  }
0x9a: {  	s5 =	simm.s32 $_size__tile_overlayer_lowered;
	s6 =	simm.s32 $_tile_overlayer_lowered  }
0x9b: {  	s22 =	simm.s32 $0x1BFF;
	s21 =	sshll.u32 s6, $0x1;
	s3 =	sadd.s32 s4, s19  }
0x9c: {  	s7 =	simm.s32 $0x0;
	s20 =	sshll.u32 s5, $0x1;
	s5 =	sadd.s32 s21, s3  }
0x9d: {  	[timem:s7], [sflag:s22] =	dma.local [hbm:s5], s20  }
0x9e: {  	_ =	swait.ge [sflag:s22], s20  }
0x9f: {  	s4 =	ssub.s32 $0x0, s20;
	[sflag:s22] =	ssyncset.done $0x0  }
0xa0: {  	[sflag:s22] =	ssyncadd.s32 s4;
	_ =	sdelay $0x1  }
0xa1: {  	s23 =	simm.s32 $0x1B8B  }
0xa2: {  	_ =	swait.ge [sflag:s23], $0x1  }
0xa3: {  	[sflag:s23] =	ssyncset.done $0x0  }
0xa4: {  	s25 =	simm.s32 $0x1B8E;
	s24 =	sld [smem:$0x3FFE];
	[sflag:s23] =	ssyncadd.s32 $0xFFFFFFFF  }
0xa5: {  	s26 =	simm.s32 $execute0_lowered;
	[smem:$0x3FD2] =	sst s25  }
0xa6: {  	s5 =	sshll.u32 s26, $0x1;
	_ =	strace $0x80000046;
	[dreg:$0x1] =	wrdreg $0xFFFFFFFF  }
0xa7: {  	s28 =	simm.s32 $_size_execute0_lowered;
	s3 =	sadd.s32 s3, s5;
	[dreg:$0x0] =	wrdreg $0x0  }
0xa8: {  	s5 =	sshll.u32 s28, $0x1;
	[dreg:$0x2] =	wrdreg s3  }
0xa9: {  	[dreg:$0x3] =	wrdreg s5  }
0xaa: {  	[dreg:$0x4] =	wrdreg $0xC0  }
0xab: {  	_ =	task [dreg:s7], $0x5FFFF  }
0xac: {  	[dreg:$0x1] =	wrdreg $0xFFFFFFFF  }
0xad: {  	[dreg:$0x0] =	wrdreg $0x60  }
0xae: {  	[dreg:$0x2] =	wrdreg s2  }
0xaf: {  	[dreg:$0x3] =	wrdreg s24  }
0xb0: {  	[dreg:$0x4] =	wrdreg $0x9  }
0xb1: {  	_ =	task.clear_ibuf [dreg:s7], $0x5FFFF;
	_ =	strace $0x90000046  }
0xb2: {  	s29 =	simm.s32 $0x9;
	_ =	strace $0x80000048  }
0xb3: {  	_ =	swait.ge [sflag:s29], $0x1  }
0xb4: {  	[sflag:s29] =	ssyncadd.s32 $0xFFFFFFFF  }
0xb5: {  	_ =	strace $0x90000048  }
0xb6: {  	_ =	sfence  }
0xb7: {  	s30 =	sld [smem:$0x0];
	_ =	sdelay $0x2  }
0xb8: {  	s31 =	sshll.u32 s1, $0xD;
	s1 =	sshrl.u32 s1, $0x2  }
0xb9: {  	s3 =	sand.u32 $0x4000, s31;
	s1 =	sadd.s32 s1, s30  }
0xba: {  	s0 =	sor.u32 s3, s0;
	s1 =	sshll.u32 s1, $0x11  }
0xbb: {  	s0 =	sor.u32 s1, s0  }
0xbc: {  	s0 =	sadd.s32 $0x8F2B, s0  }
0xbd: {  	[sflag:s0] =	ssyncadd.remote.s32 $0x1  }
0xbe: {  	_ =	sfence.sel $0xFFFF  }
0xbf: {  	[dreg:$0x0] =	wrdreg $0xFFFFFFFF;
	(pc) =	sbr.abs _section_cstart, $3  }
0xc0: {  	[dreg:$0x1] =	wrdreg $0xFFFFFFFF  }
0xc1: {  	_ =	task.clear_ibuf [dreg:s7], $0x2FFFF;
	_ =	strace $0x9FFFFFFF  }
0xc2: {  	(tm) =	ssettm $0x7FFFFFFF  }
0xc3: {  	_ =	shalt  }
tec
execute0_lowered:
.L_overlay_start_1:
0x0: {  	(tag) =	ssettag $0x1  }
0x1: {  	s0 =	srdreg.scid;
	s4 =	rddreg [dreg:$0x0]  }
0x2: {  	s6 =	rddreg [dreg:$0x1];
	s3 =	sand.u32 $0x1, s0  }
0x3: {  	s2 =	simm.s32 $0x0;
	s0 =	stileid.u32;
	s1 =	sshll.u32 s3, $0x4  }
0x4: {  	s7 =	simm.s32 $0x1;
	s28 =	sand.u32 $0x7, s0;
	s5 =	sor.u32 s0, s1  }
0x5: {  	s9 =	simm.s32 $0x0;
	p1 =	sne.s32 s28, $0x0;
	p0 =	seq.s32 s5, $0x0  }
0x6: {  	[smem:$0x7FF] =	sst s2;
	s3 =	ssub.s32 $0x2, s3;
	p0 =	por !p1, !p0  }
0x7: {  	s1 =	rddreg [dreg:$0x2];
	_ =	strace $0x80000047;
	p0 =	por !p0, !p0  }
0x8: {  	s29 =	sshrl.u32 s3, $0x1;
	s8 =	sshrl.u32 s5, $0x3;
	s7 =	simm.s32 @!p0 $0x0  }
0x9: {  	v0 =	vlaneseq.u32;
	s5 =	sshll.u32 s5, $0xC;
	s30 =	ssub.s32 s3, s29;
	s7 =	ssub.s32 s8, s7  }
0xa: {  	v1 =	vmul.u32 $0xFFFFFFFF, v0;
	s3 =	simm.s32 $0x1;
	s6 =	sadd.s32 s5, s6;
	s7 =	sshll.u32 s7, $0xA  }
0xb: {  	s5 =	sshll.u32 s0, $0xA;
	s6 =	sadd.s32 $0x400, s6;
	s31 =	sand.u32 $0x1FFFFC00, s7  }
0xc: {  	v2 =	vimm.s32 $0x0;
	vm0 =	vmmov $0x1;
	v1 =	vadd.s32 $0xF, v1;
	s8 =	simm.s32 $0x2000;
	s7 =	smax.u32 s30, $0x1;
	s4 =	sadd.s32 s4, s31  }
.LBB2_1:
0xd: {  	[tilespmem:s2], [sflag:$0x1] =	stream.linear.gather [hbm4b:s4+s2], $0x2000, $0x38;
	[tilespmem:$0xA000] =	vst v63  }
0xe: {  	_ =	swait.ge [sflag:s3], $0x2000  }
0xf: {  	[sflag:s3] =	ssyncset.done $0x0  }
0x10: {  	s10 =	simm.s32 $0x0;
	[sflag:s3] =	ssyncadd.s32 $0xFFFFE000  }
.LBB2_2:
0x11: {  	s12 =	sshll.u32 s10, $0x6  }
0x12: {  	s11 =	sshll.u32 s10, $0x4;
	s12 =	sadd.s32 s5, s12  }
0x13: {  	s13 =	sand.u32 $0x70, s11;
	s12 =	sand.u32 $0x1E00, s12  }
0x14: {  	s12 =	sor.u32 s13, s12  }
0x15: {  	v3 =	vld [tilespmem:s12+$0x0]  }
0x16: {  	v4 =	vld [tilespmem:s12+$0x80]  }
0x17: {  	s13 =	simm.s32 $0x0;
	v5 =	vld [tilespmem:s12+$0x100];
	s12 =	simm.s32 $0x0  }
.LBB2_3:
0x18: {  	s14 =	sand.u32 $0x70, s12;
	s15 =	sand.u32 $0x1E00, s12  }
0x19: {  	s15 =	sor.u32 s14, s15  }
0x1a: {  	v12 =	vld [tilespmem:s15+$0x0]  }
0x1b: {  	v13 =	vld [tilespmem:s15+$0x80]  }
0x1c: {  	s14 =	sshll.u32 s13, $0x1  }
0x1d: {  	s16 =	sshllo.u32 s13, $0x1;
	v8 =	vmov s14;
	v14 =	vld [tilespmem:s15+$0x100]  }
0x1e: {  	v11 =	vmov s16;
	v6 =	vperm.xlane v3, v8;
	v7 =	vperm.xlane v4, v8  }
0x1f: {  	v9 =	vperm.xlane v3, v11;
	v10 =	vperm.xlane v4, v11  }
0x20: {  	v8 =	vperm.xlane v5, v8;
	v15 =	vsub.f32 v12, v6;
	v16 =	vsub.f32 v13, v7  }
0x21: {  	v11 =	vperm.xlane v5, v11;
	v12 =	vsub.f32 v12, v9;
	v13 =	vsub.f32 v13, v10  }
0x22: {  	v17 =	vsub.f32 v14, v8;
	v15 =	vmul.f32 v15, v15;
	v16 =	vmul.f32 v16, v16  }
0x23: {  	v14 =	vsub.f32 v14, v11;
	v12 =	vmul.f32 v12, v12;
	v13 =	vmul.f32 v13, v13  }
0x24: {  	v15 =	vadd.f32 v16, v15;
	v16 =	vmul.f32 v17, v17  }
0x25: {  	v12 =	vadd.f32 v13, v12;
	v13 =	vmul.f32 v14, v14  }
0x26: {  	s29 =	simm.s32 $0x10;
	s30 =	simm.s32 $0x40;
	v14 =	vadd.f32 v16, v15  }
0x27: {  	s17 =	sand.u32 $0x70, s29;
	s16 =	sand.u32 $0x1E00, s30;
	v15 =	vor.u32 s12, v0;
	v12 =	vadd.f32 v13, v12  }
0x28: {  	s16 =	sor.u32 s17, s16;
	(xrf1) =	vsort.ascd.msk.f32 $0xffff, v14, v15  }
0x29: {  	v13 =	vld [tilespmem:s16+$0x80];
	(xrf1) =	vsort.ascd.msk.f32 $0xffff, v12, v15  }
0x2a: {  	v12 =	vld [tilespmem:s16+$0x0]  }
0x2b: {  	v14 =	vld [tilespmem:s16+$0x100];
	_ =	sdelay $0x3  }
0x2c: {  	v16 =	vsub.f32 v13, v7;
	v15 =	vsub.f32 v12, v6  }
0x2d: {  	v13 =	vsub.f32 v13, v10;
	v17 =	vsub.f32 v14, v8  }
0x2e: {  	v16 =	vmul.f32 v16, v16;
	v12 =	vsub.f32 v12, v9;
	v15 =	vmul.f32 v15, v15  }
0x2f: {  	v14 =	vsub.f32 v14, v11;
	v13 =	vmul.f32 v13, v13  }
0x30: {  	v12 =	vmul.f32 v12, v12;
	v15 =	vadd.f32 v16, v15;
	v16 =	vmul.f32 v17, v17;
	_ =	sdelay $0x1  }
0x31: {  	v12 =	vadd.f32 v13, v12;
	v13 =	vmul.f32 v14, v14  }
0x32: {  	v21 =	vimm.f32 $+Inf;
	v23 =	vimm.s32 $0x0;
	v15 =	vadd.f32 v16, v15;
	v14, v17, _ =	vpop (xrf1)  }
0x33: {  	v20 =	vor.u32 s29, v0;
	v12 =	vadd.f32 v13, v12;
	v16, v18, _ =	vpop (xrf1);
	v19 =	vperm.xlane v14, v1  }
0x34: {  	(xrf1) =	vsort.ascd.msk.f32 $0xffff, v15, v20;
	v15 =	vimm.f32 $+Inf;
	v22 =	vperm.xlane v17, v1;
	v16 =	vperm.xlane v16, v1  }
0x35: {  	s15 =	simm.s32 $0x20;
	s16 =	simm.s32 $0x80;
	(xrf1) =	vsort.ascd.msk.f32 $0xffff, v12, v20;
	v20 =	vimm.f32 $+Inf;
	v12 =	vimm.f32 $+Inf;
	v14 =	vperm.xlane v18, v1  }
0x36: {  	s31 =	sand.u32 $0x70, s15;
	s18 =	sand.u32 $0x1E00, s16;
	v18 =	vimm.s32 $0x0;
	vm2 =	vlt.f32 v19, v21;
	vm1 =	vlt.f32 v16, v21  }
0x37: {  	s18 =	sor.u32 s31, s18;
	v13 =	vsel vm2, v19, v21;
	v17 =	vsel vm2, v22, v23;
	v25 =	vsel vm1, v16, v21  }
0x38: {  	s17 =	simm.s32 $0x30;
	v24 =	vld [tilespmem:s18+$0x0];
	v26 =	vsel vm1, v14, v23;
	(xrf1) =	vsort.ascd.msk.f32 $0xffff, v13, v17;
	v17 =	vimm.s32 $0x0;
	v13 =	vimm.s32 $0x0  }
.LBB2_4:
0x39: {  	p0 =	sne.s32 s17, $0x7F0;
	v27 =	vld [tilespmem:s18+$0x80];
	v19 =	vsel vm2, v21, v19;
	v16 =	vsel vm1, v20, v16;
	(xrf1) =	vsort.ascd.msk.f32 $0xffff, v25, v26  }
0x3a: {  	v20 =	vsel vm2, v23, v22;
	vm2 =	vlt.f32 v19, v15;
	vm3 =	vlt.f32 v16, v12  }
0x3b: {  	v21 =	vld [tilespmem:s18+$0x100]  }
0x3c: {  	v14 =	vsel vm1, v18, v14;
	v15 =	vsel vm2, v19, v15;
	v12 =	vsel vm3, v16, v12  }
0x3d: {  	v17 =	vsel vm2, v20, v17;
	v13 =	vsel vm3, v14, v13  }
0x3e: {  	v14 =	vsub.f32 v24, v6  }
0x3f: {  	v18 =	vsub.f32 v24, v9;
	v16 =	vsub.f32 v27, v7  }
0x40: {  	v19 =	vsub.f32 v27, v10;
	v24 =	vsub.f32 v21, v8  }
0x41: {  	v14 =	vmul.f32 v14, v14;
	v16 =	vmul.f32 v16, v16  }
0x42: {  	v18 =	vmul.f32 v18, v18;
	v22 =	vsub.f32 v21, v11;
	v19 =	vmul.f32 v19, v19  }
0x43: {  	v14 =	vadd.f32 v16, v14;
	v27 =	vmul.f32 v24, v24  }
0x44: {  	v28 =	vadd.f32 v19, v18;
	v19 =	vmul.f32 v22, v22;
	v20, v21, _ =	vpop (xrf1)  }
0x45: {  	v14 =	vadd.f32 v27, v14;
	v16, v24, _ =	vpop (xrf1)  }
.Ltmp0:
0x46: {  	v25 =	vor.u32 s15, v0;
	s15 =	smov.u32 s17;
	v26 =	vadd.f32 v19, v28;
	v19 =	vperm.xlane v20, v1;
	(pc) =	sbr.rel @p0 .LBB2_4-.Ltmp0, $4  }
0x47: {  	s16 =	sadd.s32 $0x40, s16;
	v22 =	vperm.xlane v21, v1;
	v16 =	vperm.xlane v16, v1;
	(xrf1) =	vsort.ascd.msk.f32 $0xffff, v14, v25;
	v21, v23, _ =	vpop (xrf1)  }
0x48: {  	s19 =	sand.u32 $0x1E00, s16;
	s18 =	sand.u32 $0x70, s17;
	v14 =	vperm.xlane v24, v1;
	(xrf1) =	vsort.ascd.msk.f32 $0xffff, v26, v25;
	vm2 =	vlt.f32 v19, v21;
	v20, v18, _ =	vpop (xrf1)  }
0x49: {  	s18 =	sor.u32 s18, s19;
	v27 =	vsel vm2, v19, v21;
	v28 =	vsel vm2, v22, v23;
	vm1 =	vlt.f32 v16, v20  }
0x4a: {  	s17 =	sadd.s32 $0x10, s17;
	v24 =	vld [tilespmem:s18+$0x0];
	v25 =	vsel vm1, v16, v20;
	v26 =	vsel vm1, v14, v18;
	(xrf1) =	vsort.ascd.msk.f32 $0xffff, v27, v28  }
0x4b: {  	v27 =	vld [tilespmem:s18+$0x80]  }
0x4c: {  	(xrf1) =	vsort.ascd.msk.f32 $0xffff, v25, v26  }
0x4d: {  	v61 =	vld [tilespmem:s18+$0x100];
	_ =	sdelay $0x2  }
0x4e: {  	v6 =	vsub.f32 v24, v6;
	v7 =	vsub.f32 v27, v7  }
0x4f: {  	v9 =	vsub.f32 v24, v9;
	v10 =	vsub.f32 v27, v10  }
0x50: {  	v8 =	vsub.f32 v61, v8;
	v6 =	vmul.f32 v6, v6;
	v7 =	vmul.f32 v7, v7  }
0x51: {  	v11 =	vsub.f32 v61, v11;
	v9 =	vmul.f32 v9, v9  }
0x52: {  	v10 =	vmul.f32 v10, v10;
	v6 =	vadd.f32 v7, v6;
	v7 =	vmul.f32 v8, v8;
	_ =	sdelay $0x1  }
0x53: {  	v63 =	vmul.f32 v11, v11;
	v62 =	vadd.f32 v10, v9  }
0x54: {  	v28, v29, _ =	vpop (xrf1);
	v6 =	vadd.f32 v7, v6  }
0x55: {  	v31 =	vor.u32 s15, v0;
	v8 =	vadd.f32 v63, v62;
	v32 =	vperm.xlane v28, v1;
	v7, v30, _ =	vpop (xrf1)  }
0x56: {  	(xrf1) =	vsort.ascd.msk.f32 $0xffff, v6, v31;
	v6 =	vperm.xlane v29, v1;
	v7 =	vperm.xlane v7, v1;
	v33, v34, _ =	vpop (xrf1)  }
0x57: {  	(xrf1) =	vsort.ascd.msk.f32 $0xffff, v8, v31;
	v35 =	vperm.xlane v30, v1;
	vm4 =	vlt.f32 v32, v33;
	v37, v36, _ =	vpop (xrf1)  }
0x58: {  	v38 =	vsel vm4, v32, v33;
	v39 =	vsel vm4, v6, v34;
	vm3 =	vlt.f32 v7, v37  }
0x59: {  	(xrf1) =	vsort.ascd.msk.f32 $0xffff, v38, v39;
	v40 =	vsel vm3, v7, v37;
	v41 =	vsel vm3, v35, v36  }
0x5a: {  	(xrf1) =	vsort.ascd.msk.f32 $0xffff, v40, v41;
	_ =	sdelay $0x8  }
0x5b: {  	v19 =	vsel vm2, v21, v19  }
0x5c: {  	v42 =	vsel vm2, v23, v22;
	vm2 =	vlt.f32 v19, v15  }
0x5d: {  	v15 =	vsel vm2, v19, v15;
	v17 =	vsel vm2, v42, v17;
	v9 =	vsel vm4, v33, v32;
	v44, v43, _ =	vpop (xrf1)  }
0x5e: {  	v6 =	vsel vm4, v34, v6;
	vm2 =	vlt.f32 v9, v15;
	v46, v45, _ =	vpop (xrf1);
	v10 =	vperm.xlane v44, v1  }
0x5f: {  	v9 =	vsel vm2, v9, v15;
	v47 =	vperm.xlane v43, v1;
	v11 =	vperm.xlane v46, v1;
	v49, v48, _ =	vpop (xrf1)  }
0x60: {  	v6 =	vsel vm2, v6, v17;
	v50 =	vperm.xlane v45, v1;
	vm2 =	vlt.f32 v10, v49;
	v52, v51, _ =	vpop (xrf1)  }
0x61: {  	v53 =	vsel vm2, v10, v49;
	v54 =	vsel vm2, v47, v48;
	vm15 =	vlt.f32 v11, v52  }
0x62: {  	v10 =	vsel vm2, v49, v10;
	v15 =	vsel vm2, v48, v47;
	(xrf1) =	vsort.ascd.msk.f32 $0xffff, v53, v54  }
0x63: {  	v55 =	vsel vm15, v11, v52;
	v56 =	vsel vm15, v50, v51;
	vm2 =	vlt.f32 v10, v9  }
0x64: {  	(xrf1) =	vsort.ascd.msk.f32 $0xffff, v55, v56;
	v9 =	vsel vm2, v10, v9;
	v6 =	vsel vm2, v15, v6  }
0x65: {  	(xrf1) =	vsort.ascd.msk.f32 $0xffff, v9, v6;
	_ =	sdelay $0x9  }
0x66: {  	v6 =	vsel vm1, v20, v16  }
0x67: {  	v7 =	vsel vm3, v37, v7;
	vm2 =	vlt.f32 v6, v12  }
0x68: {  	v6 =	vsel vm2, v6, v12;
	v57, v10, _ =	vpop (xrf1)  }
0x69: {  	v58 =	vsel vm1, v18, v14;
	vm1 =	vlt.f32 v7, v6;
	v60, v59, _ =	vpop (xrf1)  }
0x6a: {  	v8 =	vsel vm3, v36, v35;
	v6 =	vsel vm1, v7, v6;
	v7, v61, _ =	vpop (xrf1)  }
0x6b: {  	v12 =	vsel vm2, v58, v13;
	v7 =	vperm.xlane v7, v2;
	v13 =	vperm.xlane v61, v2  }
0x6c: {  	v11 =	vsel vm15, v52, v11;
	v62 =	vsel vm15, v51, v50;
	v8 =	vsel vm1, v8, v12  }
0x6d: {  	vm1 =	vlt.f32 v11, v6;
	v7 =	vsel vm0, v7, v57;
	v63 =	vsel vm0, v13, v10  }
0x6e: {  	v6 =	vsel vm1, v11, v6;
	v8 =	vsel vm1, v62, v8;
	(xrf1) =	vsort.ascd.msk.f32 $0xffff, v7, v63  }
0x6f: {  	(xrf1) =	vsort.ascd.msk.f32 $0xffff, v6, v8;
	_ =	sdelay $0xc  }
0x70: {  	_, v6, _ =	vpop (xrf1)  }
0x71: {  	v7, v8, _ =	vpop (xrf1)  }
0x72: {  	v7 =	vperm.xlane v7, v2;
	v8 =	vperm.xlane v8, v2;
	_ =	sdelay $0x1  }
0x73: {  	v7 =	vsel vm0, v7, v60;
	v8 =	vsel vm0, v8, v59  }
0x74: {  	(xrf1) =	vsort.ascd.msk.f32 $0xffff, v7, v8;
	_ =	sdelay $0x8  }
0x75: {  	s13 =	sadd.s32 $0x1, s13  }
0x76: {  	p0 =	sne.s32 s13, $0x8  }
.Ltmp1:
0x77: {  	s14 =	sadd.s32 s11, s14;
	(pc) =	sbr.rel @p0 .LBB2_3-.Ltmp1, $4  }
0x78: {  	s14 =	sshll.u32 s14, $0x7  }
0x79: {  	s14 =	sand.u32 $0x3FFFFF80, s14  }
0x7a: {  	[tilespmem:s14+$0x2000] =	vst v6;
	_, v6, _ =	vpop (xrf1)  }
0x7b: {  	[tilespmem:s14+$0x2080] =	vst v6  }
0x7c: {  	s10 =	sadd.s32 $0x1, s10  }
0x7d: {  	p0 =	sne.s32 s10, $0x10  }
.Ltmp2:
0x7e: {  	_ = 	snop;
	(pc) =	sbr.rel @p0 .LBB2_2-.Ltmp2, $1  }
0x7f: {  	_ =	sdelay $0x3  }
0x80: {  	s9 =	sadd.s32 $0x1, s9  }
0x81: {  	p0 =	sne.s32 s9, s7  }
.Ltmp3:
0x82: {  	_ = 	snop;
	(pc) =	sbr.rel @p0 .LBB2_1-.Ltmp3, $4  }
0x83: {  	[hbm4b:s6+s2] =	stream.linear.scatter [tilespmem:s8], [sflag:$0x1], $0x8000, $0x38;
	[tilespmem:$0xA000] =	vst v63  }
0x84: {  	_ =	swait.ge [sflag:s3], $0x8000  }
0x85: {  	[sflag:s3] =	ssyncset.done $0x0  }
0x86: {  	[sflag:s3] =	ssyncadd.s32 $0xFFFF8000  }
0x87: {  	_ =	sfence.sel $0x180000  }
0x88: {  	[bflag:$0x0] =	sbarrier.arrive $0xFFFF  }
0x89: {  	p0 =	sne.s32 s0, $0x0;
	_ =	strace $0x90000047  }
0x8a: {  	s0 =	sadd.s32 @!p0 $0x100000, s1;
	[bflag:$0x2] =	sbarrier.arrive $0xFFFF  }
0x8b: {  	[sflag:s0] =	ssyncadd.tile.s32 @!p0 $0x1;
	_ =	shalt  }
.Lfunc_end2:
_tile_overlayer_lowered:
.L_overlay_start_2:
0x8c: {  	(tag) =	ssettag $0x2  }
0x8d: {  	s0 =	rddreg [dreg:$0x0];
	s2 =	stileid.u32  }
0x8e: {  	s1 =	rddreg [dreg:$0x1];
	p0 =	sne.s32 s2, $0x0  }
0x8f: {  	s3 =	rddreg [dreg:$0x2];
	[bflag:$0x3] =	sbarrier.arrive $0xFFFF;
	s2 =	simm.s32 @!p0 $0x1C01  }
0x90: {  	[timem:s3], [sflag:s2] =	dma.local @!p0 [hbm:s0], s1  }
0x91: {  	s0 =	simm.s32 @!p0 $0x1  }
0x92: {  	_ =	swait.ge @!p0 [sflag:s0], s1  }
0x93: {  	s1 =	ssub.s32 @!p0 $0x0, s1;
	[sflag:s0] =	ssyncset.done @!p0 $0x0  }
0x94: {  	[sflag:s0] =	ssyncadd.s32 @!p0 s1  }
0x95: {  	[bflag:$0x3] =	sbarrier.arrive $0xFFFF  }
0x96: {  	_ =	shalt  }

</sc_bundles>
